<compile_context>
chip_gen: v7x
topology: tpu7x:2x2x1
jax: 0.10.2.dev20260603
libtpu: 0.0.44.dev20260713+nightly
codegen_flags: <defaults>
</compile_context>

<pallas_src>
import functools

import jax
import jax.numpy as jnp
from jax import lax
from jax.experimental import pallas as pl
from jax.experimental.pallas import tpu as pltpu
from jax.experimental.pallas import tpu_sc as plsc

_B = 8192
_D = 32
_N = 8192
_R = 1024
_NB = _B // _R
_C = 2048

_NC = 2
_NS = 16
_NW = _NC * _NS
_BPW = _B // _NW


def _argmin_body(x_ref, e_ref, idx_ref, acc_ref, et_ref, e2_ref):
    i0 = pl.program_id(0)

    @pl.when(i0 == 0)
    def _():
        e = e_ref[...]
        e2_ref[...] = jnp.sum(e * e, axis=0, keepdims=True)
        acc_ref[...] = jnp.zeros((1, 1), jnp.float32)

    x = x_ref[...]
    x2 = jnp.sum(x * x, axis=1, keepdims=True)
    x_2 = x * 2.0

    iota = jax.lax.broadcasted_iota(jnp.int32, (_R, _C), 1).astype(jnp.float32)
    acc_v = jnp.full((_R,), jnp.inf, jnp.float32)
    acc_f = jnp.full((_R,), jnp.inf, jnp.float32)
    acc_i = jnp.full((_R,), float(_N), jnp.float32)
    for c in range(_N // _C):
        sl = slice(c * _C, (c + 1) * _C)
        mm2_c = jnp.dot(x_2, e_ref[:, sl])
        d_c = x2 - mm2_c + e2_ref[:, sl]
        m = jnp.min(d_c, axis=1)
        i_c = jnp.min(jnp.where(d_c == m[:, None], iota, jnp.float32(_N)), axis=1)
        i_c = i_c + jnp.float32(c * _C)
        win = m < acc_v
        acc_i = jnp.where(win, i_c, acc_i)
        acc_f = jnp.where(win, m, acc_f)
        acc_v = jnp.where(win, m, acc_v).astype(jnp.bfloat16).astype(jnp.float32)
    idx_ref[0, 0, :] = acc_i.astype(jnp.int32)

    et_ref[...] = e_ref[:, pl.ds(i0 * _R, _R)].T
    acc_ref[...] += jnp.sum(acc_f).reshape(1, 1)

    @pl.when(i0 == _NB - 1)
    def _():
        acc_ref[...] *= jnp.float32(1.0 / (_B * _D))


_argmin_call = pl.pallas_call(
    _argmin_body,
    grid=(_NB,),
    in_specs=[
        pl.BlockSpec((_R, _D), lambda i: (i, 0)),
        pl.BlockSpec((_D, _N), lambda i: (0, 0)),
    ],
    out_specs=[
        pl.BlockSpec((1, 1, _R), lambda i: (i, 0, 0)),
        pl.BlockSpec((1, 1), lambda i: (0, 0)),
        pl.BlockSpec((_R, _D), lambda i: (i, 0)),
    ],
    out_shape=[
        jax.ShapeDtypeStruct((_NB, 1, _R), jnp.int32),
        jax.ShapeDtypeStruct((1, 1), jnp.float32),
        jax.ShapeDtypeStruct((_N, _D), jnp.float32),
    ],
    scratch_shapes=[pltpu.VMEM((1, _N), jnp.float32)],
)


@functools.cache
def _make_sc_gather():
    mesh = plsc.VectorSubcoreMesh(core_axis_name="c", subcore_axis_name="s")

    @functools.partial(
        pl.kernel,
        mesh=mesh,
        out_type=jax.ShapeDtypeStruct((_B, _D), jnp.float32),
        scratch_types=[
            pltpu.VMEM((_BPW,), jnp.int32),
            pltpu.VMEM((_BPW, _D), jnp.float32),
            pltpu.SemaphoreType.DMA,
        ],
        compiler_params=pltpu.CompilerParams(use_tc_tiling_on_sc=False),
    )
    def _sc_gather(table_hbm, idx_hbm, out_hbm, idx_v, rows_v, sem):
        wid = lax.axis_index("s") * _NC + lax.axis_index("c")
        base = wid * _BPW
        pltpu.sync_copy(idx_hbm.at[pl.ds(base, _BPW)], idx_v)
        pltpu.async_copy(table_hbm.at[idx_v], rows_v, sem).wait()
        pltpu.sync_copy(rows_v, out_hbm.at[pl.ds(base, _BPW)])

    return _sc_gather


def kernel(input, embed):
    flatten = input.reshape(-1, _D)
    idx3, acc, embed_t = _argmin_call(flatten, embed)
    idx_flat = idx3.reshape(-1)
    quantize = _make_sc_gather()(embed_t, idx_flat).reshape(input.shape)
    diff = acc[0, 0]
    embed_ind = idx_flat.reshape(input.shape[:-1])
    return (quantize, diff, embed_ind)

# --- scband reference (transcript-rebuilt; emitter-appended) ---
"""Pipeline reference for scband-quantize-1692217114653 (READ-ONLY COPY).

The authoritative reference and input builder live on the scoring server;
editing this copy changes nothing except your own understanding.
"""

import jax, jax.numpy as jnp
import numpy as np


def setup_inputs(seed: int = 0) -> dict:
    key = jax.random.key(seed)
    k1, k2 = jax.random.split(key)
    inp = jax.random.normal(k1, (8, 32, 32, 32), dtype=jnp.float32)
    # learned codebook buffer: embed has shape (dim, n_embed) = (32, 8192)
    embed = jax.random.normal(k2, (32, 8192), dtype=jnp.float32)
    return {"input": inp, "embed": embed}


def reference(input, embed):
    dim = embed.shape[0]
    flatten = input.reshape(-1, dim)
    # squared L2 distance to every codeword
    dist = (
        jnp.sum(flatten ** 2, axis=1, keepdims=True)
        - 2.0 * (flatten @ embed)
        + jnp.sum(embed ** 2, axis=0, keepdims=True)
    )
    embed_ind_flat = jnp.argmax(-dist, axis=1)
    embed_ind = embed_ind_flat.reshape(input.shape[:-1])
    # embed_code: F.embedding(embed_id, embed.T) -> gather rows of transposed codebook
    quantize = jnp.take(embed.T, embed_ind, axis=0)
    diff = jnp.mean((jax.lax.stop_gradient(quantize) - input) ** 2)
    # straight-through estimator
    quantize = input + jax.lax.stop_gradient(quantize - input)
    return (quantize, diff, embed_ind)

if __name__ == "__main__":
    import jax
    _d = setup_inputs()
    print(jax.jit(kernel)(*tuple(_d.values())))

</pallas_src>

<mosaic_0001>
#map = affine_map<(d0, d1) -> (0, 0)>
#map1 = affine_map<(d0, d1) -> (0)>
module attributes {stable_mosaic.version = 14 : i64} {
  func.func @_sc_gather(%arg0: i32, %arg1: i32, %arg2: memref<8192x32xf32, #tpu.memory_space<hbm>>, %arg3: memref<8192xi32, #tpu.memory_space<hbm>>, %arg4: memref<8192x32xf32, #tpu.memory_space<hbm>>, %arg5: memref<256xi32, #tpu.memory_space<vmem>>, %arg6: memref<256x32xf32, #tpu.memory_space<vmem>>, %arg7: memref<!tpu.dma_semaphore, #tpu.memory_space<semaphore_mem>>) attributes {dimension_semantics = [#tpu.dimension_semantics<core_parallel>, #tpu.dimension_semantics<subcore_parallel>], iteration_bounds = array<i64: 2, 16>, scalar_prefetch = 0 : i64, scratch_operands = 3 : i64, tpu.core_type = #tpu.core_type<sc_vector_subcore>, window_params = [{transform_indices = #map}, {transform_indices = #map1}, {transform_indices = #map}]} {
    %mul3A = arith.constant 2 : i32
    %mul3A_0 = arith.muli %arg1, %mul3A : i32
    %add3A = arith.addi %mul3A_0, %arg0 : i32
    %mul3A_1 = arith.constant 256 : i32
    %mul3A_2 = arith.muli %add3A, %mul3A_1 : i32
    "tpu.region"() ({
      %run_scoped3A = tpu.sem_alloc : memref<!tpu.dma_semaphore, #tpu.memory_space<semaphore_mem>>
      %dma_start3A_7 = tpu.memref_slice %arg3[%mul3A_2] : memref<8192xi32, #tpu.memory_space<hbm>> -> memref<256xi32, #tpu.memory_space<hbm>>
      %dma_start3A_8 = tpu.memref_slice %arg3[%mul3A_2] : memref<8192xi32, #tpu.memory_space<hbm>> -> memref<256xi32, #tpu.memory_space<hbm>>
      tpu.enqueue_dma source(%dma_start3A_8 : memref<256xi32, #tpu.memory_space<hbm>>) target(%arg5 : memref<256xi32, #tpu.memory_space<vmem>>) target_semaphore(%run_scoped3A : memref<!tpu.dma_semaphore, #tpu.memory_space<semaphore_mem>>)
      %dma_wait3A_9 = tpu.memref_slice %arg3[%mul3A_2] : memref<8192xi32, #tpu.memory_space<hbm>> -> memref<256xi32, #tpu.memory_space<hbm>>
      %dma_wait3A_10 = tpu.memref_slice %arg3[%mul3A_2] : memref<8192xi32, #tpu.memory_space<hbm>> -> memref<256xi32, #tpu.memory_space<hbm>>
      tpu.wait_dma2 semaphore(%run_scoped3A : memref<!tpu.dma_semaphore, #tpu.memory_space<semaphore_mem>>) src(%dma_wait3A_10 : memref<256xi32, #tpu.memory_space<hbm>>) dst(%arg5 : memref<256xi32, #tpu.memory_space<vmem>>)
      tpu.yield
    }) : () -> ()
    %dma_start3A = arith.constant 0 : i32
    %dma_start3A_3 = arith.constant 0 : i32
    %dma_start3A_4 = tpu.memref_slice %arg2[%dma_start3A, %dma_start3A_3] : memref<8192x32xf32, #tpu.memory_space<hbm>> -> memref<8192x32xf32, #tpu.memory_space<hbm>>
    tpu.enqueue_indirect_dma source(%dma_start3A_4 : memref<8192x32xf32, #tpu.memory_space<hbm>>) target(%arg6 : memref<256x32xf32, #tpu.memory_space<vmem>>) offsets(%arg5 : memref<256xi32, #tpu.memory_space<vmem>>) semaphore(%arg7 : memref<!tpu.dma_semaphore, #tpu.memory_space<semaphore_mem>>)
    %dma_wait3A = arith.constant 0 : i32
    %dma_wait3A_5 = arith.constant 0 : i32
    %dma_wait3A_6 = tpu.memref_slice %arg2[%dma_wait3A, %dma_wait3A_5] : memref<8192x32xf32, #tpu.memory_space<hbm>> -> memref<8192x32xf32, #tpu.memory_space<hbm>>
    tpu.wait_indirect_dma semaphore(%arg7 : memref<!tpu.dma_semaphore, #tpu.memory_space<semaphore_mem>>) src(%dma_wait3A_6 : memref<8192x32xf32, #tpu.memory_space<hbm>>) dst(%arg6 : memref<256x32xf32, #tpu.memory_space<vmem>>)
    "tpu.region"() ({
      %run_scoped3A = tpu.sem_alloc : memref<!tpu.dma_semaphore, #tpu.memory_space<semaphore_mem>>
      %dma_start3A_7 = arith.constant 0 : i32
      %dma_start3A_8 = tpu.memref_slice %arg4[%mul3A_2, %dma_start3A_7] : memref<8192x32xf32, #tpu.memory_space<hbm>> -> memref<256x32xf32, #tpu.memory_space<hbm>>
      %dma_start3A_9 = arith.constant 0 : i32
      %dma_start3A_10 = tpu.memref_slice %arg4[%mul3A_2, %dma_start3A_9] : memref<8192x32xf32, #tpu.memory_space<hbm>> -> memref<256x32xf32, #tpu.memory_space<hbm>>
      tpu.enqueue_dma source(%arg6 : memref<256x32xf32, #tpu.memory_space<vmem>>) target(%dma_start3A_10 : memref<256x32xf32, #tpu.memory_space<hbm>>) target_semaphore(%run_scoped3A : memref<!tpu.dma_semaphore, #tpu.memory_space<semaphore_mem>>)
      %dma_wait3A_11 = arith.constant 0 : i32
      %dma_wait3A_12 = tpu.memref_slice %arg4[%mul3A_2, %dma_wait3A_11] : memref<8192x32xf32, #tpu.memory_space<hbm>> -> memref<256x32xf32, #tpu.memory_space<hbm>>
      %dma_wait3A_13 = arith.constant 0 : i32
      %dma_wait3A_14 = tpu.memref_slice %arg4[%mul3A_2, %dma_wait3A_13] : memref<8192x32xf32, #tpu.memory_space<hbm>> -> memref<256x32xf32, #tpu.memory_space<hbm>>
      tpu.wait_dma2 semaphore(%run_scoped3A : memref<!tpu.dma_semaphore, #tpu.memory_space<semaphore_mem>>) src(%arg6 : memref<256x32xf32, #tpu.memory_space<vmem>>) dst(%dma_wait3A_14 : memref<256x32xf32, #tpu.memory_space<hbm>>)
      tpu.yield
    }) : () -> ()
    return
  }
}

module attributes {stable_mosaic.version = 14 : i64} {
  func.func @_argmin_body(%arg0: i32, %arg1: memref<1024x32xf32, #tpu.memory_space<vmem>>, %arg2: memref<32x8192xf32, #tpu.memory_space<vmem>>, %arg3: memref<1x1x1024xi32, #tpu.memory_space<vmem>>, %arg4: memref<1x1xf32, #tpu.memory_space<vmem>>, %arg5: memref<1024x32xf32, #tpu.memory_space<vmem>>, %arg6: memref<1x8192xf32, #tpu.memory_space<vmem>>) attributes {dimension_semantics = [#tpu.dimension_semantics<arbitrary>], iteration_bounds = array<i64: 8>, scalar_prefetch = 0 : i64, scratch_operands = 1 : i64, tpu.core_type = #tpu.core_type<tc>, window_params = [{transform_indices = @transform_0, window_bounds = array<i64: 1024, 32>}, {pipeline_mode = #tpu.pipeline_mode<synchronous>, transform_indices = @transform_1, window_bounds = array<i64: 32, 8192>}, {transform_indices = @transform_2, window_bounds = array<i64: 1, 1, 1024>}, {pipeline_mode = #tpu.pipeline_mode<synchronous>, transform_indices = @transform_3, window_bounds = array<i64: 1, 1>}, {transform_indices = @transform_4, window_bounds = array<i64: 1024, 32>}]} {
    %eq3A = arith.constant 0 : i32
    %eq3A_0 = arith.cmpi eq, %arg0, %eq3A : i32
    %convert_element_type3A = arith.extui %eq3A_0 : i1 to i32
    %cond3A = arith.constant 0 : i32
    %cond3A_1 = arith.cmpi ne, %convert_element_type3A, %cond3A : i32
    scf.if %cond3A_1 {
      %get3A_160 = arith.constant 0 : index
      %get3A_161 = arith.constant 0 : index
      %get3A_162 = vector.load %arg2[%get3A_160, %get3A_161] : memref<32x8192xf32, #tpu.memory_space<vmem>>, vector<32x8192xf32>
      %mul3A_163 = arith.mulf %get3A_162, %get3A_162 : vector<32x8192xf32>
      %reduce_sum3A_164 = arith.constant dense<0.000000e+00> : vector<8192xf32>
      %reduce_sum3A_165 = vector.multi_reduction <add>, %mul3A_163, %reduce_sum3A_164 [0] : vector<32x8192xf32> to vector<8192xf32>
      %broadcast_in_dim3A_166 = vector.shape_cast %reduce_sum3A_165 : vector<8192xf32> to vector<1x8192xf32>
      %swap3A_167 = arith.constant 0 : index
      %swap3A_168 = arith.constant 0 : index
      %swap3A_169 = vector.load %arg6[%swap3A_167, %swap3A_168] : memref<1x8192xf32, #tpu.memory_space<vmem>>, vector<1x8192xf32>
      tpu.vector_store %arg6[%swap3A_167, %swap3A_168], %broadcast_in_dim3A_166 {strides = array<i32>} : memref<1x8192xf32, #tpu.memory_space<vmem>>, vector<1x8192xf32>,
      %broadcast_in_dim3A_170 = arith.constant 0.000000e+00 : f32
      %broadcast_in_dim3A_171 = vector.broadcast %broadcast_in_dim3A_170 : f32 to vector<1x1xf32>
      %swap3A_172 = arith.constant 0 : index
      %swap3A_173 = arith.constant 0 : index
      %swap3A_174 = vector.load %arg4[%swap3A_172, %swap3A_173] : memref<1x1xf32, #tpu.memory_space<vmem>>, vector<1x1xf32>
      tpu.vector_store %arg4[%swap3A_172, %swap3A_173], %broadcast_in_dim3A_171 {strides = array<i32>} : memref<1x1xf32, #tpu.memory_space<vmem>>, vector<1x1xf32>,
    } else {
    }
    %get3A = arith.constant 0 : index
    %get3A_2 = arith.constant 0 : index
    %get3A_3 = vector.load %arg1[%get3A, %get3A_2] : memref<1024x32xf32, #tpu.memory_space<vmem>>, vector<1024x32xf32>
    %mul3A = arith.mulf %get3A_3, %get3A_3 : vector<1024x32xf32>
    %reduce_sum3A = arith.constant dense<0.000000e+00> : vector<1024xf32>
    %reduce_sum3A_4 = vector.multi_reduction <add>, %mul3A, %reduce_sum3A [1] : vector<1024x32xf32> to vector<1024xf32>
    %broadcast_in_dim3A = vector.shape_cast %reduce_sum3A_4 : vector<1024xf32> to vector<1024x1xf32>
    %mul3A_5 = arith.constant 2.000000e+00 : f32
    %mul3A_6 = vector.broadcast %mul3A_5 : f32 to vector<1024x32xf32>
    %mul3A_7 = arith.mulf %get3A_3, %mul3A_6 : vector<1024x32xf32>
    %iota3A = tpu.iota {dimensions = array<i32: 1>} : vector<1024x2048xi32>
    %convert_element_type3A_8 = arith.sitofp %iota3A : vector<1024x2048xi32> to vector<1024x2048xf32>
    %broadcast_in_dim3A_9 = arith.constant 0x7F800000 : f32
    %broadcast_in_dim3A_10 = vector.broadcast %broadcast_in_dim3A_9 : f32 to vector<1024xf32>
    %broadcast_in_dim3A_11 = arith.constant 0x7F800000 : f32
    %broadcast_in_dim3A_12 = vector.broadcast %broadcast_in_dim3A_11 : f32 to vector<1024xf32>
    %broadcast_in_dim3A_13 = arith.constant 8.192000e+03 : f32
    %broadcast_in_dim3A_14 = vector.broadcast %broadcast_in_dim3A_13 : f32 to vector<1024xf32>
    %get3A_15 = arith.constant 0 : index
    %get3A_16 = arith.constant 0 : index
    %get3A_17 = vector.load %arg2[%get3A_15, %get3A_16] : memref<32x8192xf32, #tpu.memory_space<vmem>>, vector<32x2048xf32>
    %dot_general3A = arith.constant dense<0.000000e+00> : vector<1024x2048xf32>
    %dot_general3A_18 = tpu.matmul %mul3A_7, %get3A_17, %dot_general3A {dimension_numbers = #tpu.dot_dimension_numbers<[1], [0], [0], [1], [0, 0, 1, 1], [], []>, transpose_lhs_hint = false} : vector<1024x32xf32>, vector<32x2048xf32>, vector<1024x2048xf32> -> vector<1024x2048xf32>
    %sub3A = vector.broadcast %broadcast_in_dim3A : vector<1024x1xf32> to vector<1024x2048xf32>
    %sub3A_19 = arith.subf %sub3A, %dot_general3A_18 : vector<1024x2048xf32>
    %get3A_20 = arith.constant 0 : index
    %get3A_21 = arith.constant 0 : index
    %get3A_22 = vector.load %arg6[%get3A_20, %get3A_21] : memref<1x8192xf32, #tpu.memory_space<vmem>>, vector<1x2048xf32>
    %add3A = vector.broadcast %get3A_22 : vector<1x2048xf32> to vector<1024x2048xf32>
    %add3A_23 = arith.addf %sub3A_19, %add3A : vector<1024x2048xf32>
    %reduce_min3A = arith.constant dense<0x7F800000> : vector<1024xf32>
    %reduce_min3A_24 = vector.multi_reduction <minimumf>, %add3A_23, %reduce_min3A [1] : vector<1024x2048xf32> to vector<1024xf32>
    %broadcast_in_dim3A_25 = vector.shape_cast %reduce_min3A_24 : vector<1024xf32> to vector<1024x1xf32>
    %eq3A_26 = vector.broadcast %broadcast_in_dim3A_25 : vector<1024x1xf32> to vector<1024x2048xf32>
    %eq3A_27 = arith.cmpf oeq, %add3A_23, %eq3A_26 : vector<1024x2048xf32>
    %jit3A = arith.constant 8.192000e+03 : f32
    %broadcast_in_dim3A_28 = vector.broadcast %jit3A : f32 to vector<1024x2048xf32>
    %select_n3A = arith.select %eq3A_27, %convert_element_type3A_8, %broadcast_in_dim3A_28 : vector<1024x2048xi1>, vector<1024x2048xf32>
    %reduce_min3A_29 = arith.constant dense<0x7F800000> : vector<1024xf32>
    %reduce_min3A_30 = vector.multi_reduction <minimumf>, %select_n3A, %reduce_min3A_29 [1] : vector<1024x2048xf32> to vector<1024xf32>
    %add3A_31 = arith.constant 0.000000e+00 : f32
    %add3A_32 = vector.broadcast %add3A_31 : f32 to vector<1024xf32>
    %add3A_33 = arith.addf %reduce_min3A_30, %add3A_32 : vector<1024xf32>
    %lt3A = arith.cmpf olt, %reduce_min3A_24, %broadcast_in_dim3A_10 : vector<1024xf32>
    %select_n3A_34 = arith.select %lt3A, %add3A_33, %broadcast_in_dim3A_14 : vector<1024xi1>, vector<1024xf32>
    %select_n3A_35 = arith.select %lt3A, %reduce_min3A_24, %broadcast_in_dim3A_12 : vector<1024xi1>, vector<1024xf32>
    %select_n3A_36 = arith.select %lt3A, %reduce_min3A_24, %broadcast_in_dim3A_10 : vector<1024xi1>, vector<1024xf32>
    %convert_element_type3A_37 = arith.truncf %select_n3A_36 : vector<1024xf32> to vector<1024xbf16>
    %convert_element_type3A_38 = arith.extf %convert_element_type3A_37 : vector<1024xbf16> to vector<1024xf32>
    %get3A_39 = arith.constant 0 : index
    %get3A_40 = arith.constant 2048 : index
    %get3A_41 = vector.load %arg2[%get3A_39, %get3A_40] : memref<32x8192xf32, #tpu.memory_space<vmem>>, vector<32x2048xf32>
    %dot_general3A_42 = arith.constant dense<0.000000e+00> : vector<1024x2048xf32>
    %dot_general3A_43 = tpu.matmul %mul3A_7, %get3A_41, %dot_general3A_42 {dimension_numbers = #tpu.dot_dimension_numbers<[1], [0], [0], [1], [0, 0, 1, 1], [], []>, transpose_lhs_hint = false} : vector<1024x32xf32>, vector<32x2048xf32>, vector<1024x2048xf32> -> vector<1024x2048xf32>
    %sub3A_44 = vector.broadcast %broadcast_in_dim3A : vector<1024x1xf32> to vector<1024x2048xf32>
    %sub3A_45 = arith.subf %sub3A_44, %dot_general3A_43 : vector<1024x2048xf32>
    %get3A_46 = arith.constant 0 : index
    %get3A_47 = arith.constant 2048 : index
    %get3A_48 = vector.load %arg6[%get3A_46, %get3A_47] : memref<1x8192xf32, #tpu.memory_space<vmem>>, vector<1x2048xf32>
    %add3A_49 = vector.broadcast %get3A_48 : vector<1x2048xf32> to vector<1024x2048xf32>
    %add3A_50 = arith.addf %sub3A_45, %add3A_49 : vector<1024x2048xf32>
    %reduce_min3A_51 = arith.constant dense<0x7F800000> : vector<1024xf32>
    %reduce_min3A_52 = vector.multi_reduction <minimumf>, %add3A_50, %reduce_min3A_51 [1] : vector<1024x2048xf32> to vector<1024xf32>
    %broadcast_in_dim3A_53 = vector.shape_cast %reduce_min3A_52 : vector<1024xf32> to vector<1024x1xf32>
    %eq3A_54 = vector.broadcast %broadcast_in_dim3A_53 : vector<1024x1xf32> to vector<1024x2048xf32>
    %eq3A_55 = arith.cmpf oeq, %add3A_50, %eq3A_54 : vector<1024x2048xf32>
    %jit3A_56 = arith.constant 8.192000e+03 : f32
    %broadcast_in_dim3A_57 = vector.broadcast %jit3A_56 : f32 to vector<1024x2048xf32>
    %select_n3A_58 = arith.select %eq3A_55, %convert_element_type3A_8, %broadcast_in_dim3A_57 : vector<1024x2048xi1>, vector<1024x2048xf32>
    %reduce_min3A_59 = arith.constant dense<0x7F800000> : vector<1024xf32>
    %reduce_min3A_60 = vector.multi_reduction <minimumf>, %select_n3A_58, %reduce_min3A_59 [1] : vector<1024x2048xf32> to vector<1024xf32>
    %add3A_61 = arith.constant 2.048000e+03 : f32
    %add3A_62 = vector.broadcast %add3A_61 : f32 to vector<1024xf32>
    %add3A_63 = arith.addf %reduce_min3A_60, %add3A_62 : vector<1024xf32>
    %lt3A_64 = arith.cmpf olt, %reduce_min3A_52, %convert_element_type3A_38 : vector<1024xf32>
    %select_n3A_65 = arith.select %lt3A_64, %add3A_63, %select_n3A_34 : vector<1024xi1>, vector<1024xf32>
    %select_n3A_66 = arith.select %lt3A_64, %reduce_min3A_52, %select_n3A_35 : vector<1024xi1>, vector<1024xf32>
    %select_n3A_67 = arith.select %lt3A_64, %reduce_min3A_52, %convert_element_type3A_38 : vector<1024xi1>, vector<1024xf32>
    %convert_element_type3A_68 = arith.truncf %select_n3A_67 : vector<1024xf32> to vector<1024xbf16>
    %convert_element_type3A_69 = arith.extf %convert_element_type3A_68 : vector<1024xbf16> to vector<1024xf32>
    %get3A_70 = arith.constant 0 : index
    %get3A_71 = arith.constant 4096 : index
    %get3A_72 = vector.load %arg2[%get3A_70, %get3A_71] : memref<32x8192xf32, #tpu.memory_space<vmem>>, vector<32x2048xf32>
    %dot_general3A_73 = arith.constant dense<0.000000e+00> : vector<1024x2048xf32>
    %dot_general3A_74 = tpu.matmul %mul3A_7, %get3A_72, %dot_general3A_73 {dimension_numbers = #tpu.dot_dimension_numbers<[1], [0], [0], [1], [0, 0, 1, 1], [], []>, transpose_lhs_hint = false} : vector<1024x32xf32>, vector<32x2048xf32>, vector<1024x2048xf32> -> vector<1024x2048xf32>
    %sub3A_75 = vector.broadcast %broadcast_in_dim3A : vector<1024x1xf32> to vector<1024x2048xf32>
    %sub3A_76 = arith.subf %sub3A_75, %dot_general3A_74 : vector<1024x2048xf32>
    %get3A_77 = arith.constant 0 : index
    %get3A_78 = arith.constant 4096 : index
    %get3A_79 = vector.load %arg6[%get3A_77, %get3A_78] : memref<1x8192xf32, #tpu.memory_space<vmem>>, vector<1x2048xf32>
    %add3A_80 = vector.broadcast %get3A_79 : vector<1x2048xf32> to vector<1024x2048xf32>
    %add3A_81 = arith.addf %sub3A_76, %add3A_80 : vector<1024x2048xf32>
    %reduce_min3A_82 = arith.constant dense<0x7F800000> : vector<1024xf32>
    %reduce_min3A_83 = vector.multi_reduction <minimumf>, %add3A_81, %reduce_min3A_82 [1] : vector<1024x2048xf32> to vector<1024xf32>
    %broadcast_in_dim3A_84 = vector.shape_cast %reduce_min3A_83 : vector<1024xf32> to vector<1024x1xf32>
    %eq3A_85 = vector.broadcast %broadcast_in_dim3A_84 : vector<1024x1xf32> to vector<1024x2048xf32>
    %eq3A_86 = arith.cmpf oeq, %add3A_81, %eq3A_85 : vector<1024x2048xf32>
    %jit3A_87 = arith.constant 8.192000e+03 : f32
    %broadcast_in_dim3A_88 = vector.broadcast %jit3A_87 : f32 to vector<1024x2048xf32>
    %select_n3A_89 = arith.select %eq3A_86, %convert_element_type3A_8, %broadcast_in_dim3A_88 : vector<1024x2048xi1>, vector<1024x2048xf32>
    %reduce_min3A_90 = arith.constant dense<0x7F800000> : vector<1024xf32>
    %reduce_min3A_91 = vector.multi_reduction <minimumf>, %select_n3A_89, %reduce_min3A_90 [1] : vector<1024x2048xf32> to vector<1024xf32>
    %add3A_92 = arith.constant 4.096000e+03 : f32
    %add3A_93 = vector.broadcast %add3A_92 : f32 to vector<1024xf32>
    %add3A_94 = arith.addf %reduce_min3A_91, %add3A_93 : vector<1024xf32>
    %lt3A_95 = arith.cmpf olt, %reduce_min3A_83, %convert_element_type3A_69 : vector<1024xf32>
    %select_n3A_96 = arith.select %lt3A_95, %add3A_94, %select_n3A_65 : vector<1024xi1>, vector<1024xf32>
    %select_n3A_97 = arith.select %lt3A_95, %reduce_min3A_83, %select_n3A_66 : vector<1024xi1>, vector<1024xf32>
    %select_n3A_98 = arith.select %lt3A_95, %reduce_min3A_83, %convert_element_type3A_69 : vector<1024xi1>, vector<1024xf32>
    %convert_element_type3A_99 = arith.truncf %select_n3A_98 : vector<1024xf32> to vector<1024xbf16>
    %convert_element_type3A_100 = arith.extf %convert_element_type3A_99 : vector<1024xbf16> to vector<1024xf32>
    %get3A_101 = arith.constant 0 : index
    %get3A_102 = arith.constant 6144 : index
    %get3A_103 = vector.load %arg2[%get3A_101, %get3A_102] : memref<32x8192xf32, #tpu.memory_space<vmem>>, vector<32x2048xf32>
    %dot_general3A_104 = arith.constant dense<0.000000e+00> : vector<1024x2048xf32>
    %dot_general3A_105 = tpu.matmul %mul3A_7, %get3A_103, %dot_general3A_104 {dimension_numbers = #tpu.dot_dimension_numbers<[1], [0], [0], [1], [0, 0, 1, 1], [], []>, transpose_lhs_hint = false} : vector<1024x32xf32>, vector<32x2048xf32>, vector<1024x2048xf32> -> vector<1024x2048xf32>
    %sub3A_106 = vector.broadcast %broadcast_in_dim3A : vector<1024x1xf32> to vector<1024x2048xf32>
    %sub3A_107 = arith.subf %sub3A_106, %dot_general3A_105 : vector<1024x2048xf32>
    %get3A_108 = arith.constant 0 : index
    %get3A_109 = arith.constant 6144 : index
    %get3A_110 = vector.load %arg6[%get3A_108, %get3A_109] : memref<1x8192xf32, #tpu.memory_space<vmem>>, vector<1x2048xf32>
    %add3A_111 = vector.broadcast %get3A_110 : vector<1x2048xf32> to vector<1024x2048xf32>
    %add3A_112 = arith.addf %sub3A_107, %add3A_111 : vector<1024x2048xf32>
    %reduce_min3A_113 = arith.constant dense<0x7F800000> : vector<1024xf32>
    %reduce_min3A_114 = vector.multi_reduction <minimumf>, %add3A_112, %reduce_min3A_113 [1] : vector<1024x2048xf32> to vector<1024xf32>
    %broadcast_in_dim3A_115 = vector.shape_cast %reduce_min3A_114 : vector<1024xf32> to vector<1024x1xf32>
    %eq3A_116 = vector.broadcast %broadcast_in_dim3A_115 : vector<1024x1xf32> to vector<1024x2048xf32>
    %eq3A_117 = arith.cmpf oeq, %add3A_112, %eq3A_116 : vector<1024x2048xf32>
    %jit3A_118 = arith.constant 8.192000e+03 : f32
    %broadcast_in_dim3A_119 = vector.broadcast %jit3A_118 : f32 to vector<1024x2048xf32>
    %select_n3A_120 = arith.select %eq3A_117, %convert_element_type3A_8, %broadcast_in_dim3A_119 : vector<1024x2048xi1>, vector<1024x2048xf32>
    %reduce_min3A_121 = arith.constant dense<0x7F800000> : vector<1024xf32>
    %reduce_min3A_122 = vector.multi_reduction <minimumf>, %select_n3A_120, %reduce_min3A_121 [1] : vector<1024x2048xf32> to vector<1024xf32>
    %add3A_123 = arith.constant 6.144000e+03 : f32
    %add3A_124 = vector.broadcast %add3A_123 : f32 to vector<1024xf32>
    %add3A_125 = arith.addf %reduce_min3A_122, %add3A_124 : vector<1024xf32>
    %lt3A_126 = arith.cmpf olt, %reduce_min3A_114, %convert_element_type3A_100 : vector<1024xf32>
    %select_n3A_127 = arith.select %lt3A_126, %add3A_125, %select_n3A_96 : vector<1024xi1>, vector<1024xf32>
    %select_n3A_128 = arith.select %lt3A_126, %reduce_min3A_114, %select_n3A_97 : vector<1024xi1>, vector<1024xf32>
    %convert_element_type3A_129 = arith.fptosi %select_n3A_127 : vector<1024xf32> to vector<1024xi32>
    %swap3A = arith.constant 0 : index
    %swap3A_130 = arith.constant 0 : index
    %swap3A_131 = arith.constant 0 : index
    %swap3A_132 = vector.load %arg3[%swap3A, %swap3A_130, %swap3A_131] : memref<1x1x1024xi32, #tpu.memory_space<vmem>>, vector<1x1x1024xi32>
    %swap3A_133 = vector.shape_cast %swap3A_132 : vector<1x1x1024xi32> to vector<1024xi32>
    %swap3A_134 = vector.shape_cast %convert_element_type3A_129 : vector<1024xi32> to vector<1x1x1024xi32>
    tpu.vector_store %arg3[%swap3A, %swap3A_130, %swap3A_131], %swap3A_134 {strides = array<i32>} : memref<1x1x1024xi32, #tpu.memory_space<vmem>>, vector<1x1x1024xi32>,
    %mul3A_135 = arith.constant 1024 : i32
    %mul3A_136 = arith.muli %arg0, %mul3A_135 : i32
    %get3A_137 = arith.constant 0 : index
    %get3A_138 = arith.index_cast %mul3A_136 : i32 to index
    %get3A_139 = vector.load %arg2[%get3A_137, %get3A_138] : memref<32x8192xf32, #tpu.memory_space<vmem>>, vector<32x1024xf32>
    %transpose3A = tpu.transpose %get3A_139, [1, 0] : vector<32x1024xf32> -> vector<1024x32xf32>
    %swap3A_140 = arith.constant 0 : index
    %swap3A_141 = arith.constant 0 : index
    %swap3A_142 = vector.load %arg5[%swap3A_140, %swap3A_141] : memref<1024x32xf32, #tpu.memory_space<vmem>>, vector<1024x32xf32>
    tpu.vector_store %arg5[%swap3A_140, %swap3A_141], %transpose3A {strides = array<i32>} : memref<1024x32xf32, #tpu.memory_space<vmem>>, vector<1024x32xf32>,
    %get3A_143 = arith.constant 0 : index
    %get3A_144 = arith.constant 0 : index
    %get3A_145 = vector.load %arg4[%get3A_143, %get3A_144] : memref<1x1xf32, #tpu.memory_space<vmem>>, vector<1x1xf32>
    %reduce_sum3A_146 = vector.shape_cast %select_n3A_128 : vector<1024xf32> to vector<1x1024xf32>
    %reduce_sum3A_147 = arith.constant dense<0.000000e+00> : vector<1xf32>
    %reduce_sum3A_148 = vector.multi_reduction <add>, %reduce_sum3A_146, %reduce_sum3A_147 [1] : vector<1x1024xf32> to vector<1xf32>
    %reduce_sum3A_149 = vector.shape_cast %reduce_sum3A_148 : vector<1xf32> to vector<1x1xf32>
    %reduce_sum3A_150 = vector.extract %reduce_sum3A_149[0, 0] : f32 from vector<1x1xf32>
    %reshape3A = vector.broadcast %reduce_sum3A_150 : f32 to vector<1x1xf32>
    %add3A_151 = arith.addf %get3A_145, %reshape3A : vector<1x1xf32>
    %swap3A_152 = arith.constant 0 : index
    %swap3A_153 = arith.constant 0 : index
    %swap3A_154 = vector.load %arg4[%swap3A_152, %swap3A_153] : memref<1x1xf32, #tpu.memory_space<vmem>>, vector<1x1xf32>
    tpu.vector_store %arg4[%swap3A_152, %swap3A_153], %add3A_151 {strides = array<i32>} : memref<1x1xf32, #tpu.memory_space<vmem>>, vector<1x1xf32>,
    %eq3A_155 = arith.constant 7 : i32
    %eq3A_156 = arith.cmpi eq, %arg0, %eq3A_155 : i32
    %convert_element_type3A_157 = arith.extui %eq3A_156 : i1 to i32
    %cond3A_158 = arith.constant 0 : i32
    %cond3A_159 = arith.cmpi ne, %convert_element_type3A_157, %cond3A_158 : i32
    scf.if %cond3A_159 {
      %get3A_160 = arith.constant 0 : index
      %get3A_161 = arith.constant 0 : index
      %get3A_162 = vector.load %arg4[%get3A_160, %get3A_161] : memref<1x1xf32, #tpu.memory_space<vmem>>, vector<1x1xf32>
      %mul3A_163 = arith.constant 3.81469727E-6 : f32
      %mul3A_164 = vector.broadcast %mul3A_163 : f32 to vector<1x1xf32>
      %mul3A_165 = arith.mulf %get3A_162, %mul3A_164 : vector<1x1xf32>
      %swap3A_166 = arith.constant 0 : index
      %swap3A_167 = arith.constant 0 : index
      %swap3A_168 = vector.load %arg4[%swap3A_166, %swap3A_167] : memref<1x1xf32, #tpu.memory_space<vmem>>, vector<1x1xf32>
      tpu.vector_store %arg4[%swap3A_166, %swap3A_167], %mul3A_165 {strides = array<i32>} : memref<1x1xf32, #tpu.memory_space<vmem>>, vector<1x1xf32>,
    } else {
    }
    return
  }
  func.func @transform_0(%arg0: i32) -> (i32, i32) {
    %c0_i32 = arith.constant 0 : i32
    %c0_i32_0 = arith.constant 0 : i32
    return %arg0, %c0_i32 : i32, i32
  }
  func.func @transform_1(%arg0: i32) -> (i32, i32) {
    %c0_i32 = arith.constant 0 : i32
    %c0_i32_0 = arith.constant 0 : i32
    %c0_i32_1 = arith.constant 0 : i32
    return %c0_i32, %c0_i32_0 : i32, i32
  }
  func.func @transform_2(%arg0: i32) -> (i32, i32, i32) {
    %c0_i32 = arith.constant 0 : i32
    %c0_i32_0 = arith.constant 0 : i32
    %c0_i32_1 = arith.constant 0 : i32
    return %arg0, %c0_i32, %c0_i32_0 : i32, i32, i32
  }
  func.func @transform_3(%arg0: i32) -> (i32, i32) {
    %c0_i32 = arith.constant 0 : i32
    %c0_i32_0 = arith.constant 0 : i32
    %c0_i32_1 = arith.constant 0 : i32
    return %c0_i32, %c0_i32_0 : i32, i32
  }
  func.func @transform_4(%arg0: i32) -> (i32, i32) {
    %c0_i32 = arith.constant 0 : i32
    %c0_i32_0 = arith.constant 0 : i32
    return %arg0, %c0_i32 : i32, i32
  }
}

</mosaic_0001>

<sc_bundles>
// kernel: kernel.4.cloned.1.call-start
scs
__scs_entry_jumppad:
0x0: {  	(pc) =	sbr.rel $0x88, $3  }
0x1: {  	(tag) =	ssettag $0x0;
	lr =	simm.s32 $0x1  }
0x2: {  	[smem:$0x3F9F] =	sst lr;
	_ =	strace $0xD0000000  }
0x3: {  	_ = 	snop  }
0x4: {  	_ = 	snop  }
0x5: {  	_ = 	snop  }
0x6: {  	_ = 	snop  }
0x7: {  	_ = 	snop  }
__scs_overlays_trampoline_lowered:
0x8: {  	[smem:$0x3FAE] =	sst s0  }
0x9: {  	[smem:$0x3FAF] =	sst s1  }
0xa: {  	[smem:$0x3FB0] =	sst s2  }
0xb: {  	[smem:$0x3FB1] =	sst s3  }
0xc: {  	[smem:$0x3FB2] =	sst s4  }
0xd: {  	[smem:$0x3FB3] =	sst s5  }
0xe: {  	[smem:$0x3FB4] =	sst s6  }
0xf: {  	[smem:$0x3FB5] =	sst s7  }
0x10: {  	[smem:$0x3FB6] =	sst s8  }
0x11: {  	[smem:$0x3FB7] =	sst s9;
	s0 =	simm.s32 @!p0 $0x0  }
0x12: {  	s1 =	sld [smem:$0x3F9D];
	s0 =	simm.s32 @p0 $0x1  }
0x13: {  	[smem:$0x3FB8] =	sst s0;
	s0 =	simm.s32 @!p1 $0x0  }
0x14: {  	s2 =	sld [smem:$0x3F9C];
	s0 =	simm.s32 @p1 $0x1  }
0x15: {  	[smem:$0x3FB9] =	sst s0;
	s0 =	simm.s32 @!p2 $0x0  }
0x16: {  	s3 =	sld [smem:$0x3FDB];
	s0 =	simm.s32 @p2 $0x1  }
0x17: {  	s4 =	simm.s32 $0x1BF5;
	[smem:$0x3FBB] =	sst s0  }
0x18: {  	s0 =	sld [smem:$0x3F9E];
	_ =	swait.ge [sflag:s4], $0x0  }
0x19: {  	s7 =	sld [smem:$0x3F9F]  }
0x1a: {  	s8 =	sadd.s32 $0xFFFFE003, lr  }
0x1b: {  	s9 =	sadd.s32 $0xFFFFFEF7, lr;
	s5 =	simm.s32 $0xFFFFFFFF;
	p2 =	slt.u32 s8, $0xFFFFF086  }
0x1c: {  	p1 =	slt.u32 s9, $0xF7A;
	s5 =	simm.s32 @!p2 $0x0  }
0x1d: {  	s5 =	simm.s32 @p1 $0x1;
	p0 =	seq.s32 s7, s2  }
0x1e: {  	s7 =	smul.u32 @!p0 $0xF7A, s2;
	p2 =	seq.s32 @!p0 s5, $0x0  }
0x1f: {  	s9 =	smul.u32 $0xF7A, s1;
	s8 =	simm.s32 @!p0 $0x1BF5;
	p2 =	por !p2, p0  }
0x20: {  	[sflag:s8] =	ssyncset.s32 @!p0 $0xFFFFF086;
	s6 =	sadd.s32 @!p0 s3, s7;
	s7 =	simm.s32 @!p0 $0x108  }
0x21: {  	s3 =	sadd.s32 s3, s9;
	s6 =	sadd.s32 @!p0 $0x88, s6;
	s7 =	simm.s32 @p2 $0x1082  }
0x22: {  	[simem:s7], [sflag:s8] =	dma.local @!p0 [hbm:s6], $0xF7A  }
0x23: {  	s9 =	sor.u32 $0xD0000000, s2;
	s6 =	simm.s32 $0x108;
	_ =	swait.ge @!p0 [sflag:s8], $0x0  }
0x24: {  	s3 =	sadd.s32 $0x88, s3;
	s6 =	simm.s32 @!p1 $0x1082;
	[sflag:s4] =	ssyncset.s32 $0xFFFFF086  }
0x25: {  	[simem:s6], [sflag:s4] =	dma.local [hbm:s3], $0xF7A  }
0x26: {  	[smem:$0x3F9F] =	sst s1;
	(tag) =	ssettag s2;
	_ =	strace s9  }
0x27: {  	s1 =	sld [smem:$0x3FAF]  }
0x28: {  	s2 =	sld [smem:$0x3FB0]  }
0x29: {  	s4 =	sld [smem:$0x3FB2]  }
0x2a: {  	p0 =	seq.s32 s5, $0x0;
	s5 =	sld [smem:$0x3FB3]  }
0x2b: {  	s6 =	sld [smem:$0x3FB4]  }
0x2c: {  	s7 =	sld [smem:$0x3FB5]  }
0x2d: {  	s3 =	simm.s32 $0x108;
	s8 =	sld [smem:$0x3FB6]  }
0x2e: {  	s3 =	simm.s32 @!p0 $0x1082;
	s9 =	sld [smem:$0x3FB7]  }
0x2f: {  	lr =	sadd.s32 s0, s3;
	s0 =	sld [smem:$0x3FAE]  }
0x30: {  	s3 =	sld [smem:$0x3FB1]  }
0x31: {  	[smem:$0x3FBA] =	sst s10  }
0x32: {  	s10 =	sld [smem:$0x3FB8];
	_ =	sdelay $0x3  }
0x33: {  	p0 =	seq.s32 s10, $0x1;
	s10 =	sld [smem:$0x3FBA];
	_ =	sdelay $0x3  }
0x34: {  	[smem:$0x3FBA] =	sst s10  }
0x35: {  	s10 =	sld [smem:$0x3FB9];
	_ =	sdelay $0x3  }
0x36: {  	p1 =	seq.s32 s10, $0x1;
	s10 =	sld [smem:$0x3FBA];
	_ =	sdelay $0x3  }
0x37: {  	[smem:$0x3FBA] =	sst s10  }
0x38: {  	s10 =	sld [smem:$0x3FBB]  }
0x39: {  	_ = 	snop;
	(pc) =	sbr.ind lr, $3  }
0x3a: {  	_ = 	snop  }
0x3b: {  	_ = 	snop  }
0x3c: {  	p2 =	seq.s32 s10, $0x1;
	s10 =	sld [smem:$0x3FBA]  }
0x3d: {  	_ =	shalt  }
0x3e: {  	_ =	shalt  }
0x3f: {  	_ =	shalt  }
0x40: {  	_ =	shalt  }
0x41: {  	_ =	shalt  }
0x42: {  	_ =	shalt  }
0x43: {  	_ =	shalt  }
0x44: {  	_ =	shalt  }
0x45: {  	_ =	shalt  }
0x46: {  	_ =	shalt  }
0x47: {  	_ =	shalt  }
0x48: {  	_ =	shalt  }
0x49: {  	_ =	shalt  }
0x4a: {  	_ =	shalt  }
0x4b: {  	_ =	shalt  }
0x4c: {  	_ =	shalt  }
0x4d: {  	_ =	shalt  }
0x4e: {  	_ =	shalt  }
0x4f: {  	_ =	shalt  }
0x50: {  	_ =	shalt  }
0x51: {  	_ =	shalt  }
0x52: {  	_ =	shalt  }
0x53: {  	_ =	shalt  }
0x54: {  	_ =	shalt  }
0x55: {  	_ =	shalt  }
0x56: {  	_ =	shalt  }
0x57: {  	_ =	shalt  }
0x58: {  	_ =	shalt  }
0x59: {  	_ =	shalt  }
0x5a: {  	_ =	shalt  }
0x5b: {  	_ =	shalt  }
0x5c: {  	_ =	shalt  }
0x5d: {  	_ =	shalt  }
0x5e: {  	_ =	shalt  }
0x5f: {  	_ =	shalt  }
0x60: {  	_ =	shalt  }
0x61: {  	_ =	shalt  }
0x62: {  	_ =	shalt  }
0x63: {  	_ =	shalt  }
0x64: {  	_ =	shalt  }
0x65: {  	_ =	shalt  }
0x66: {  	_ =	shalt  }
0x67: {  	_ =	shalt  }
0x68: {  	_ =	shalt  }
0x69: {  	_ =	shalt  }
0x6a: {  	_ =	shalt  }
0x6b: {  	_ =	shalt  }
0x6c: {  	_ =	shalt  }
0x6d: {  	_ =	shalt  }
0x6e: {  	_ =	shalt  }
0x6f: {  	_ =	shalt  }
0x70: {  	_ =	shalt  }
0x71: {  	_ =	shalt  }
0x72: {  	_ =	shalt  }
0x73: {  	_ =	shalt  }
0x74: {  	_ =	shalt  }
0x75: {  	_ =	shalt  }
0x76: {  	_ =	shalt  }
0x77: {  	_ =	shalt  }
0x78: {  	_ =	shalt  }
0x79: {  	_ =	shalt  }
0x7a: {  	_ =	shalt  }
0x7b: {  	_ =	shalt  }
0x7c: {  	_ =	shalt  }
0x7d: {  	_ =	shalt  }
0x7e: {  	_ =	shalt  }
0x7f: {  	_ =	shalt  }
0x80: {  	_ =	shalt  }
0x81: {  	_ =	shalt  }
0x82: {  	_ =	shalt  }
0x83: {  	_ =	shalt  }
0x84: {  	_ =	shalt  }
0x85: {  	_ =	shalt  }
0x86: {  	_ =	shalt  }
0x87: {  	_ =	shalt  }
.Lfunc_end0:
.L_simem_size_0:
called_computation_lowered:
.L_overlay_start_0:
0x88: {  	s2 =	sld [smem:$0x3FD9]  }
0x89: {  	s3 =	sld [smem:$0x3FFE];
	_ =	sdelay $0x1  }
0x8a: {  	s1 =	srdreg.scid  }
0x8b: {  	s0 =	sand.u32 $0x1, s1  }
0x8c: {  	s14 =	sshll.u32 s0, $0xA;
	s2 =	sadd.s32 s3, s2  }
0x8d: {  	s2 =	sadd.s32 s2, s14  }
0x8e: {  	[smem:$0x3FC6] =	sst s2  }
0x8f: {  	_ = 	snop  }
0x90: {  	s2 =	sld [smem:$0x3FD0];
	_ =	sdelay $0x2  }
0x91: {  	s15 =	simm.s32 $0xA;
	s4 =	simm.s32 $0x10  }
0x92: {  	[smem:s4], [sflag:s15] =	dma.local [hbm:s2], $0x1  }
0x93: {  	_ =	swait.eq [sflag:s15], $0x1  }
0x94: {  	[sflag:s15] =	ssyncset.done $0x0  }
0x95: {  	[sflag:s15] =	ssyncadd.s32 $0xFFFFFFFF  }
0x96: {  	s16 =	sld [smem:$0x10];
	(tm) =	ssettm $0x1  }
0x97: {  	s17 =	sld [smem:$0x3FFB];
	_ =	sdelay $0x3  }
0x98: {  	_ =	strace s17  }
0x99: {  	s3 =	sld [smem:$0x3FFC];
	_ =	sdelay $0x3  }
0x9a: {  	_ =	strace s3  }
0x9b: {  	s3 =	sld [smem:$0x3FFD];
	_ =	sdelay $0x3  }
0x9c: {  	_ =	strace s3  }
0x9d: {  	_ =	strace $0x8FFFFFFF  }
0x9e: {  	s18 =	sld [smem:$0x3FDB];
	_ =	sdelay $0x1  }
0x9f: {  	s19 =	simm.s32 $_scs_section_size  }
0xa0: {  	s5 =	simm.s32 $_size__tile_overlayer_lowered;
	s6 =	simm.s32 $_tile_overlayer_lowered  }
0xa1: {  	s22 =	simm.s32 $0x1BFF;
	s21 =	sshll.u32 s6, $0x1;
	s3 =	sadd.s32 s19, s18  }
0xa2: {  	s7 =	simm.s32 $0x0;
	s20 =	sshll.u32 s5, $0x1;
	s5 =	sadd.s32 s21, s3  }
0xa3: {  	[timem:s7], [sflag:s22] =	dma.local [hbm:s5], s20  }
0xa4: {  	_ =	swait.ge [sflag:s22], s20  }
0xa5: {  	s4 =	ssub.s32 $0x0, s20;
	[sflag:s22] =	ssyncset.done $0x0  }
0xa6: {  	[sflag:s22] =	ssyncadd.s32 s4;
	_ =	sdelay $0x1  }
0xa7: {  	s23 =	simm.s32 $0x1B8B  }
0xa8: {  	_ =	swait.ge [sflag:s23], $0x1  }
0xa9: {  	[sflag:s23] =	ssyncset.done $0x0  }
0xaa: {  	s25 =	simm.s32 $0x1B8E;
	s24 =	sld [smem:$0x3FFE];
	[sflag:s23] =	ssyncadd.s32 $0xFFFFFFFF  }
0xab: {  	s26 =	simm.s32 $execute0_lowered;
	[smem:$0x3FD2] =	sst s25  }
0xac: {  	s5 =	sshll.u32 s26, $0x1;
	_ =	strace $0x80000046;
	[dreg:$0x1] =	wrdreg $0xFFFFFFFF  }
0xad: {  	s28 =	simm.s32 $_size_execute0_lowered;
	s3 =	sadd.s32 s3, s5;
	[dreg:$0x0] =	wrdreg $0x0  }
0xae: {  	s5 =	sshll.u32 s28, $0x1;
	[dreg:$0x2] =	wrdreg s3  }
0xaf: {  	[dreg:$0x3] =	wrdreg s5  }
0xb0: {  	[dreg:$0x4] =	wrdreg $0xC0  }
0xb1: {  	_ =	task [dreg:s7], $0x5FFFF  }
0xb2: {  	[dreg:$0x1] =	wrdreg $0xFFFFFFFF  }
0xb3: {  	[dreg:$0x0] =	wrdreg $0x60  }
0xb4: {  	[dreg:$0x2] =	wrdreg s16  }
0xb5: {  	[dreg:$0x3] =	wrdreg s24  }
0xb6: {  	[dreg:$0x4] =	wrdreg $0x9  }
0xb7: {  	_ =	task.clear_ibuf [dreg:s7], $0x5FFFF;
	_ =	strace $0x90000046  }
0xb8: {  	s29 =	simm.s32 $0x9;
	_ =	strace $0x80000048  }
0xb9: {  	_ =	swait.ge [sflag:s29], $0x1  }
0xba: {  	[sflag:s29] =	ssyncadd.s32 $0xFFFFFFFF  }
0xbb: {  	_ =	strace $0x90000048  }
0xbc: {  	_ =	sfence  }
0xbd: {  	s30 =	sld [smem:$0x0];
	_ =	sdelay $0x2  }
0xbe: {  	s31 =	sshll.u32 s1, $0xD;
	s1 =	sshrl.u32 s1, $0x2  }
0xbf: {  	s3 =	sand.u32 $0x4000, s31;
	s1 =	sadd.s32 s1, s30  }
0xc0: {  	s0 =	sor.u32 s3, s0;
	s1 =	sshll.u32 s1, $0x11  }
0xc1: {  	s0 =	sor.u32 s1, s0  }
0xc2: {  	s0 =	sadd.s32 $0x8F2B, s0  }
0xc3: {  	[sflag:s0] =	ssyncadd.remote.s32 $0x1  }
0xc4: {  	_ =	sfence.sel $0xFFFF  }
0xc5: {  	[dreg:$0x0] =	wrdreg $0xFFFFFFFF;
	(pc) =	sbr.abs _section_cstart, $3  }
0xc6: {  	[dreg:$0x1] =	wrdreg $0xFFFFFFFF  }
0xc7: {  	_ =	task.clear_ibuf [dreg:s7], $0x2FFFF;
	_ =	strace $0x9FFFFFFF  }
0xc8: {  	(tm) =	ssettm $0x7FFFFFFF  }
0xc9: {  	_ =	shalt  }
tec
execute0_lowered:
.L_overlay_start_1:
0x0: {  	(tag) =	ssettag $0x1  }
0x1: {  	s1 =	srdreg.scid  }
0x2: {  	s0 =	stileid.u32;
	s6 =	sand.u32 $0x1, s1  }
0x3: {  	s2 =	rddreg [dreg:$0x0];
	s30 =	sshll.u32 s0, $0x9;
	s3 =	sshll.u32 s6, $0x8  }
0x4: {  	s8 =	rddreg [dreg:$0x1];
	s7 =	simm.s32 $0x1;
	s9 =	sor.u32 s3, s30  }
0x5: {  	s1 =	rddreg [dreg:$0x2];
	s3 =	simm.s32 $0x0;
	s4 =	sshrl.u32 s9, $0x3  }
0x6: {  	s10 =	ssub.s32 $0x2, s6;
	[smem:$0x7FF] =	sst s3;
	s4 =	sadd.s32 s4, s8  }
0x7: {  	_ =	strace $0x80000047;
	s5 =	sadd.s32 $0xA00, s4;
	s4 =	simm.s32 $0x2  }
0x8: {  	[tilespmem:s3], [sflag:$0x2] =	stream.linear.gather [hbm4b:s5+s3], $0x100, $0x38;
	[tilespmem:$0x2100] =	vst v63  }
0x9: {  	s6 =	simm.s32 $0x100;
	s11 =	sshrl.u32 s10, $0x1;
	_ =	swait.ge [sflag:s4], $0x100  }
0xa: {  	s9 =	sshll.u32 s9, $0x2;
	s31 =	ssub.s32 s10, s11;
	[sflag:s4] =	ssyncset.done $0x0  }
0xb: {  	s8 =	sadd.s32 s9, s8;
	s9 =	smax.u32 s31, $0x1;
	[sflag:s4] =	ssyncadd.s32 $0xFFFFFF00  }
0xc: {  	[tilespmem:s6], [sflag:$0x1] =	stream.indirect.gather [hbm4b:s2+s6], $0x20, s3, s6, $0xb8;
	[tilespmem:$0x2100] =	vst v63  }
0xd: {  	p0 =	sne.s32 s9, $0x1;
	_ =	swait.ge [sflag:s7], $0x2000  }
.Ltmp0:
0xe: {  	[sflag:s7] =	ssyncset.done $0x0;
	(pc) =	sbr.rel @!p0 .LBB2_2-.Ltmp0, $4  }
0xf: {  	s8 =	sadd.s32 $0xE00, s8;
	[sflag:s7] =	ssyncadd.s32 $0xFFFFE000  }
0x10: {  	[hbm4b:s8+s3] =	stream.linear.scatter [tilespmem:s6], [sflag:$0x2], $0x2000, $0x38;
	[tilespmem:$0x2100] =	vst v63  }
0x11: {  	_ =	swait.ge [sflag:s4], $0x2000  }
0x12: {  	s9 =	sadd.s32 $0xFFFFFFFF, s9;
	[sflag:s4] =	ssyncset.done $0x0  }
.LBB2_1:
0x13: {  	p0 =	sne.s32 s9, $0x1;
	s9 =	sadd.s32 $0xFFFFFFFF, s9;
	[sflag:s4] =	ssyncadd.s32 $0xFFFFE000  }
0x14: {  	[tilespmem:s3], [sflag:$0x2] =	stream.linear.gather [hbm4b:s5+s3], $0x100, $0x38;
	[tilespmem:$0x2100] =	vst v63  }
0x15: {  	_ =	swait.ge [sflag:s4], $0x100  }
0x16: {  	[sflag:s4] =	ssyncset.done $0x0  }
0x17: {  	[sflag:s4] =	ssyncadd.s32 $0xFFFFFF00  }
0x18: {  	[tilespmem:s6], [sflag:$0x1] =	stream.indirect.gather [hbm4b:s2+s6], $0x20, s3, s6, $0xb8;
	[tilespmem:$0x2100] =	vst v63  }
0x19: {  	_ =	swait.ge [sflag:s7], $0x2000  }
.Ltmp1:
0x1a: {  	[sflag:s7] =	ssyncset.done $0x0;
	(pc) =	sbr.rel @p0 .LBB2_1-.Ltmp1, $4  }
0x1b: {  	[sflag:s7] =	ssyncadd.s32 $0xFFFFE000  }
0x1c: {  	[hbm4b:s8+s3] =	stream.linear.scatter [tilespmem:s6], [sflag:$0x2], $0x2000, $0x38;
	[tilespmem:$0x2100] =	vst v63  }
0x1d: {  	_ =	swait.ge [sflag:s4], $0x2000  }
0x1e: {  	[sflag:s4] =	ssyncset.done $0x0  }
.LBB2_2:
0x1f: {  	[sflag:s4] =	ssyncadd.s32 $0xFFFFE000  }
0x20: {  	_ =	sfence.sel $0x180000  }
0x21: {  	[bflag:$0x0] =	sbarrier.arrive $0xFFFF  }
0x22: {  	p0 =	sne.s32 s0, $0x0;
	_ =	strace $0x90000047  }
0x23: {  	s0 =	sadd.s32 @!p0 $0x100000, s1;
	[bflag:$0x2] =	sbarrier.arrive $0xFFFF  }
0x24: {  	[sflag:s0] =	ssyncadd.tile.s32 @!p0 $0x1;
	_ =	shalt  }
.Lfunc_end2:
_tile_overlayer_lowered:
.L_overlay_start_2:
0x25: {  	(tag) =	ssettag $0x2  }
0x26: {  	s0 =	rddreg [dreg:$0x0];
	s2 =	stileid.u32  }
0x27: {  	s1 =	rddreg [dreg:$0x1];
	p0 =	sne.s32 s2, $0x0  }
0x28: {  	s3 =	rddreg [dreg:$0x2];
	[bflag:$0x3] =	sbarrier.arrive $0xFFFF;
	s2 =	simm.s32 @!p0 $0x1C02  }
0x29: {  	[timem:s3], [sflag:s2] =	dma.local @!p0 [hbm:s0], s1  }
0x2a: {  	s0 =	simm.s32 @!p0 $0x2  }
0x2b: {  	_ =	swait.ge @!p0 [sflag:s0], s1  }
0x2c: {  	s1 =	ssub.s32 @!p0 $0x0, s1;
	[sflag:s0] =	ssyncset.done @!p0 $0x0  }
0x2d: {  	[sflag:s0] =	ssyncadd.s32 @!p0 s1  }
0x2e: {  	[bflag:$0x3] =	sbarrier.arrive $0xFFFF  }
0x2f: {  	_ =	shalt  }

</sc_bundles>
